<compile_context>
chip_gen: v7x
topology: tpu7x:2x2x1
jax: 0.10.2.dev20260603
libtpu: 0.0.44.dev20260713+nightly
codegen_flags: <defaults>
</compile_context>

<pallas_src>
import jax
import jax.numpy as jnp
from jax import lax
from jax.experimental import pallas as pl
from jax.experimental.pallas import tpu as pltpu
from jax.experimental.pallas import tpu_sc as plsc

B = 4096
L = 200
TOK = B * L
LOC_EMB = 32
TIME_EMB = 32
MODE_EMB = 16
MODE_VOC = 8
CMB_EMB = TIME_EMB + MODE_EMB
OUT_D = LOC_EMB + CMB_EMB
PAD_D = 128

IDXW = 128
LANES = 16
NW = 32
TOK_PER_W = TOK // NW
CHUNK = 1024
N_CHUNKS = TOK_PER_W // CHUNK
G_PER_CHUNK = CHUNK // IDXW
V_PER_CHUNK = CHUNK // LANES


def _body(src_hbm, time_hbm, mode_hbm, loc_tab, cmb_tab, out_hbm,
          sidx, tidx, midx, fidx, loc_buf, cmb_buf, gsem):
    cid = lax.axis_index("c")
    sid = lax.axis_index("s")
    wid = sid * 2 + cid
    tbase = wid * TOK_PER_W

    def chunk(g, carry):
        tok0 = tbase + g * CHUNK
        pltpu.sync_copy(src_hbm.at[pl.ds(tok0, CHUNK)], sidx)
        pltpu.sync_copy(time_hbm.at[pl.ds(tok0, CHUNK)], tidx)
        pltpu.sync_copy(mode_hbm.at[pl.ds(tok0, CHUNK)], midx)

        def fuse(v, c2):
            o = v * LANES
            fidx[pl.ds(o, LANES)] = (
                tidx[pl.ds(o, LANES)] * MODE_VOC + midx[pl.ds(o, LANES)])
            return c2

        lax.fori_loop(0, V_PER_CHUNK, fuse, 0)

        handles = []
        for j in range(G_PER_CHUNK):
            o = j * IDXW
            handles.append(pltpu.async_copy(
                loc_tab.at[sidx.at[pl.ds(o, IDXW)]],
                loc_buf.at[pl.ds(o, IDXW)], gsem))
            handles.append(pltpu.async_copy(
                cmb_tab.at[fidx.at[pl.ds(o, IDXW)]],
                cmb_buf.at[pl.ds(o, IDXW)], gsem))
        for h in handles:
            h.wait()

        pltpu.sync_copy(loc_buf,
                        out_hbm.at[pl.ds(tok0, CHUNK), pl.ds(0, LOC_EMB)])
        pltpu.sync_copy(cmb_buf,
                        out_hbm.at[pl.ds(tok0, CHUNK), pl.ds(LOC_EMB, CMB_EMB)])
        return carry

    lax.fori_loop(0, N_CHUNKS, chunk, 0)


@jax.jit
def _run(src1d, time1d, mode1d, loc_tab, cmb_tab):
    mesh = plsc.VectorSubcoreMesh(core_axis_name="c", subcore_axis_name="s")
    idx_t = pltpu.VMEM((CHUNK,), jnp.int32)
    k = pl.kernel(
        _body,
        out_type=jax.ShapeDtypeStruct((TOK, PAD_D), jnp.float32),
        mesh=mesh,
        scratch_types=[
            idx_t, idx_t, idx_t, idx_t,
            pltpu.VMEM((CHUNK, LOC_EMB), jnp.float32),
            pltpu.VMEM((CHUNK, CMB_EMB), jnp.float32),
            pltpu.SemaphoreType.DMA,
        ],
        compiler_params=pltpu.CompilerParams(use_tc_tiling_on_sc=False),
    )
    return k(src1d, time1d, mode1d, loc_tab, cmb_tab)


def kernel(src, time, mode, emb_loc_table, emb_time_table, emb_mode_table):
    cmb_tab = jnp.concatenate(
        [jnp.repeat(emb_time_table, MODE_VOC, axis=0),
         jnp.tile(emb_mode_table, (emb_time_table.shape[0], 1))], axis=-1)
    out = _run(src.astype(jnp.int32).reshape(TOK),
               time.astype(jnp.int32).reshape(TOK),
               mode.astype(jnp.int32).reshape(TOK),
               emb_loc_table, cmb_tab)
    return out.reshape(B, L, PAD_D)[:, :, :OUT_D]

# --- scband reference (transcript-rebuilt; emitter-appended) ---
"""Pipeline reference for scband-all-embedding-36782099922994 (READ-ONLY COPY).

The authoritative reference and input builder live on the scoring server;
editing this copy changes nothing except your own understanding.
"""

import jax, jax.numpy as jnp
import numpy as np

B = 4096
L = 200
TOTAL_LOC_NUM = 1000000
LOC_EMB = 32
TIME_VOCAB = 60 * 24 // 30  # 48
TIME_EMB = 32
MODE_VOCAB = 8
MODE_EMB = 16


def setup_inputs(seed: int = 0) -> dict:
    key = jax.random.key(seed)
    k_src, k_time, k_mode, k_loc_t, k_time_t, k_mode_t = jax.random.split(key, 6)
    src = jax.random.randint(k_src, (B, L), 0, TOTAL_LOC_NUM, dtype=jnp.int64 if jax.config.jax_enable_x64 else jnp.int32)
    time = jax.random.randint(k_time, (B, L), 0, TIME_VOCAB, dtype=jnp.int32)
    mode = jax.random.randint(k_mode, (B, L), 0, MODE_VOCAB, dtype=jnp.int32)
    emb_loc_table = jax.random.normal(k_loc_t, (TOTAL_LOC_NUM, LOC_EMB), dtype=jnp.float32)
    emb_time_table = jax.random.normal(k_time_t, (TIME_VOCAB, TIME_EMB), dtype=jnp.float32)
    emb_mode_table = jax.random.normal(k_mode_t, (MODE_VOCAB, MODE_EMB), dtype=jnp.float32)
    return {
        "src": src,
        "time": time,
        "mode": mode,
        "emb_loc_table": emb_loc_table,
        "emb_time_table": emb_time_table,
        "emb_mode_table": emb_mode_table,
    }


def reference(src, time, mode, emb_loc_table, emb_time_table, emb_mode_table):
    # emb = self.emb_loc(src)
    emb = jnp.take(emb_loc_table, src, axis=0)
    # if if_include_time: emb = cat([emb, emb_time(time)], -1)
    emb = jnp.concatenate([emb, jnp.take(emb_time_table, time, axis=0)], axis=-1)
    # if if_include_mode: emb = cat([emb, emb_mode(mode)], -1)
    emb = jnp.concatenate([emb, jnp.take(emb_mode_table, mode, axis=0)], axis=-1)
    return emb

if __name__ == "__main__":
    import jax
    _d = setup_inputs()
    print(jax.jit(kernel)(*tuple(_d.values())))

</pallas_src>

<mosaic_0001>
#map = affine_map<(d0, d1) -> (0)>
#map1 = affine_map<(d0, d1) -> (0, 0)>
module attributes {stable_mosaic.version = 14 : i64} {
  func.func @_body(%arg0: i32, %arg1: i32, %arg2: memref<819200xi32, #tpu.memory_space<hbm>>, %arg3: memref<819200xi32, #tpu.memory_space<hbm>>, %arg4: memref<819200xi32, #tpu.memory_space<hbm>>, %arg5: memref<1000000x32xf32, #tpu.memory_space<hbm>>, %arg6: memref<384x48xf32, #tpu.memory_space<hbm>>, %arg7: memref<819200x128xf32, #tpu.memory_space<hbm>>, %arg8: memref<1024xi32, #tpu.memory_space<vmem>>, %arg9: memref<1024xi32, #tpu.memory_space<vmem>>, %arg10: memref<1024xi32, #tpu.memory_space<vmem>>, %arg11: memref<1024xi32, #tpu.memory_space<vmem>>, %arg12: memref<1024x32xf32, #tpu.memory_space<vmem>>, %arg13: memref<1024x48xf32, #tpu.memory_space<vmem>>, %arg14: memref<!tpu.dma_semaphore, #tpu.memory_space<semaphore_mem>>) attributes {dimension_semantics = [#tpu.dimension_semantics<core_parallel>, #tpu.dimension_semantics<subcore_parallel>], iteration_bounds = array<i64: 2, 16>, scalar_prefetch = 0 : i64, scratch_operands = 7 : i64, tpu.core_type = #tpu.core_type<sc_vector_subcore>, window_params = [{transform_indices = #map}, {transform_indices = #map}, {transform_indices = #map}, {transform_indices = #map1}, {transform_indices = #map1}, {transform_indices = #map1}]} {
    %mul3A = arith.constant 2 : i32
    %mul3A_0 = arith.muli %arg1, %mul3A : i32
    %add3A = arith.addi %mul3A_0, %arg0 : i32
    %mul3A_1 = arith.constant 25600 : i32
    %mul3A_2 = arith.muli %add3A, %mul3A_1 : i32
    %scan3A = arith.constant 0 : i32
    %scan3A_3 = arith.constant 0 : i32
    %scan3A_4 = arith.constant 25 : i32
    %scan3A_5 = arith.addi %scan3A_3, %scan3A_4 : i32
    %scan3A_6 = arith.constant 1 : i32
    scf.for %scan3A_8 = %scan3A_3 to %scan3A_5 step %scan3A_6  : i32 {
      %mul3A_9 = arith.constant 1024 : i32
      %mul3A_10 = arith.muli %scan3A_8, %mul3A_9 : i32
      %add3A_11 = arith.addi %mul3A_2, %mul3A_10 : i32
      "tpu.region"() ({
        %run_scoped3A = tpu.sem_alloc : memref<!tpu.dma_semaphore, #tpu.memory_space<semaphore_mem>>
        %dma_start3A_272 = tpu.memref_slice %arg2[%add3A_11] : memref<819200xi32, #tpu.memory_space<hbm>> -> memref<1024xi32, #tpu.memory_space<hbm>>
        %dma_start3A_273 = tpu.memref_slice %arg2[%add3A_11] : memref<819200xi32, #tpu.memory_space<hbm>> -> memref<1024xi32, #tpu.memory_space<hbm>>
        tpu.enqueue_dma source(%dma_start3A_273 : memref<1024xi32, #tpu.memory_space<hbm>>) target(%arg8 : memref<1024xi32, #tpu.memory_space<vmem>>) target_semaphore(%run_scoped3A : memref<!tpu.dma_semaphore, #tpu.memory_space<semaphore_mem>>)
        %dma_wait3A_274 = tpu.memref_slice %arg2[%add3A_11] : memref<819200xi32, #tpu.memory_space<hbm>> -> memref<1024xi32, #tpu.memory_space<hbm>>
        %dma_wait3A_275 = tpu.memref_slice %arg2[%add3A_11] : memref<819200xi32, #tpu.memory_space<hbm>> -> memref<1024xi32, #tpu.memory_space<hbm>>
        tpu.wait_dma2 semaphore(%run_scoped3A : memref<!tpu.dma_semaphore, #tpu.memory_space<semaphore_mem>>) src(%dma_wait3A_275 : memref<1024xi32, #tpu.memory_space<hbm>>) dst(%arg8 : memref<1024xi32, #tpu.memory_space<vmem>>)
        tpu.yield
      }) : () -> ()
      "tpu.region"() ({
        %run_scoped3A = tpu.sem_alloc : memref<!tpu.dma_semaphore, #tpu.memory_space<semaphore_mem>>
        %dma_start3A_272 = tpu.memref_slice %arg3[%add3A_11] : memref<819200xi32, #tpu.memory_space<hbm>> -> memref<1024xi32, #tpu.memory_space<hbm>>
        %dma_start3A_273 = tpu.memref_slice %arg3[%add3A_11] : memref<819200xi32, #tpu.memory_space<hbm>> -> memref<1024xi32, #tpu.memory_space<hbm>>
        tpu.enqueue_dma source(%dma_start3A_273 : memref<1024xi32, #tpu.memory_space<hbm>>) target(%arg9 : memref<1024xi32, #tpu.memory_space<vmem>>) target_semaphore(%run_scoped3A : memref<!tpu.dma_semaphore, #tpu.memory_space<semaphore_mem>>)
        %dma_wait3A_274 = tpu.memref_slice %arg3[%add3A_11] : memref<819200xi32, #tpu.memory_space<hbm>> -> memref<1024xi32, #tpu.memory_space<hbm>>
        %dma_wait3A_275 = tpu.memref_slice %arg3[%add3A_11] : memref<819200xi32, #tpu.memory_space<hbm>> -> memref<1024xi32, #tpu.memory_space<hbm>>
        tpu.wait_dma2 semaphore(%run_scoped3A : memref<!tpu.dma_semaphore, #tpu.memory_space<semaphore_mem>>) src(%dma_wait3A_275 : memref<1024xi32, #tpu.memory_space<hbm>>) dst(%arg9 : memref<1024xi32, #tpu.memory_space<vmem>>)
        tpu.yield
      }) : () -> ()
      "tpu.region"() ({
        %run_scoped3A = tpu.sem_alloc : memref<!tpu.dma_semaphore, #tpu.memory_space<semaphore_mem>>
        %dma_start3A_272 = tpu.memref_slice %arg4[%add3A_11] : memref<819200xi32, #tpu.memory_space<hbm>> -> memref<1024xi32, #tpu.memory_space<hbm>>
        %dma_start3A_273 = tpu.memref_slice %arg4[%add3A_11] : memref<819200xi32, #tpu.memory_space<hbm>> -> memref<1024xi32, #tpu.memory_space<hbm>>
        tpu.enqueue_dma source(%dma_start3A_273 : memref<1024xi32, #tpu.memory_space<hbm>>) target(%arg10 : memref<1024xi32, #tpu.memory_space<vmem>>) target_semaphore(%run_scoped3A : memref<!tpu.dma_semaphore, #tpu.memory_space<semaphore_mem>>)
        %dma_wait3A_274 = tpu.memref_slice %arg4[%add3A_11] : memref<819200xi32, #tpu.memory_space<hbm>> -> memref<1024xi32, #tpu.memory_space<hbm>>
        %dma_wait3A_275 = tpu.memref_slice %arg4[%add3A_11] : memref<819200xi32, #tpu.memory_space<hbm>> -> memref<1024xi32, #tpu.memory_space<hbm>>
        tpu.wait_dma2 semaphore(%run_scoped3A : memref<!tpu.dma_semaphore, #tpu.memory_space<semaphore_mem>>) src(%dma_wait3A_275 : memref<1024xi32, #tpu.memory_space<hbm>>) dst(%arg10 : memref<1024xi32, #tpu.memory_space<vmem>>)
        tpu.yield
      }) : () -> ()
      %scan3A_12 = arith.constant 0 : i32
      %scan3A_13 = arith.constant 0 : i32
      %scan3A_14 = arith.constant 64 : i32
      %scan3A_15 = arith.addi %scan3A_13, %scan3A_14 : i32
      %scan3A_16 = arith.constant 1 : i32
      scf.for %scan3A_272 = %scan3A_13 to %scan3A_15 step %scan3A_16  : i32 {
        %mul3A_273 = arith.constant 16 : i32
        %mul3A_274 = arith.muli %scan3A_272, %mul3A_273 : i32
        %get3A = arith.index_cast %mul3A_274 : i32 to index
        %get3A_275 = tpu.vector_load %arg9[%get3A] {strides = array<i32>} : memref<1024xi32, #tpu.memory_space<vmem>>, vector<16xi32>,
        %get3A_276 = vector.shape_cast %get3A_275 : vector<16xi32> to vector<16xi32>
        %mul3A_277 = arith.constant 8 : i32
        %mul3A_278 = vector.broadcast %mul3A_277 : i32 to vector<16xi32>
        %mul3A_279 = arith.muli %get3A_276, %mul3A_278 : vector<16xi32>
        %get3A_280 = arith.index_cast %mul3A_274 : i32 to index
        %get3A_281 = tpu.vector_load %arg10[%get3A_280] {strides = array<i32>} : memref<1024xi32, #tpu.memory_space<vmem>>, vector<16xi32>,
        %get3A_282 = vector.shape_cast %get3A_281 : vector<16xi32> to vector<16xi32>
        %add3A_283 = arith.addi %mul3A_279, %get3A_282 : vector<16xi32>
        %swap3A = arith.index_cast %mul3A_274 : i32 to index
        %swap3A_284 = tpu.vector_load %arg11[%swap3A] {strides = array<i32>} : memref<1024xi32, #tpu.memory_space<vmem>>, vector<16xi32>,
        %swap3A_285 = vector.shape_cast %swap3A_284 : vector<16xi32> to vector<16xi32>
        %swap3A_286 = vector.shape_cast %add3A_283 : vector<16xi32> to vector<16xi32>
        tpu.vector_store %arg11[%swap3A], %swap3A_286 {strides = array<i32>} : memref<1024xi32, #tpu.memory_space<vmem>>, vector<16xi32>,
      }
      %scan3A_17 = arith.constant 64 : i32
      %dma_start3A = arith.constant 0 : i32
      %dma_start3A_18 = arith.constant 0 : i32
      %dma_start3A_19 = tpu.memref_slice %arg12[%dma_start3A, %dma_start3A_18] : memref<1024x32xf32, #tpu.memory_space<vmem>> -> memref<128x32xf32, #tpu.memory_space<vmem>>
      %dma_start3A_20 = arith.constant 0 : i32
      %dma_start3A_21 = tpu.memref_slice %arg8[%dma_start3A_20] : memref<1024xi32, #tpu.memory_space<vmem>> -> memref<128xi32, #tpu.memory_space<vmem>>
      %dma_start3A_22 = arith.constant 0 : i32
      %dma_start3A_23 = arith.constant 0 : i32
      %dma_start3A_24 = tpu.memref_slice %arg5[%dma_start3A_22, %dma_start3A_23] : memref<1000000x32xf32, #tpu.memory_space<hbm>> -> memref<1000000x32xf32, #tpu.memory_space<hbm>>
      tpu.enqueue_indirect_dma source(%dma_start3A_24 : memref<1000000x32xf32, #tpu.memory_space<hbm>>) target(%dma_start3A_19 : memref<128x32xf32, #tpu.memory_space<vmem>>) offsets(%dma_start3A_21 : memref<128xi32, #tpu.memory_space<vmem>>) semaphore(%arg14 : memref<!tpu.dma_semaphore, #tpu.memory_space<semaphore_mem>>)
      %dma_start3A_25 = arith.constant 0 : i32
      %dma_start3A_26 = arith.constant 0 : i32
      %dma_start3A_27 = tpu.memref_slice %arg13[%dma_start3A_25, %dma_start3A_26] : memref<1024x48xf32, #tpu.memory_space<vmem>> -> memref<128x48xf32, #tpu.memory_space<vmem>>
      %dma_start3A_28 = arith.constant 0 : i32
      %dma_start3A_29 = tpu.memref_slice %arg11[%dma_start3A_28] : memref<1024xi32, #tpu.memory_space<vmem>> -> memref<128xi32, #tpu.memory_space<vmem>>
      %dma_start3A_30 = arith.constant 0 : i32
      %dma_start3A_31 = arith.constant 0 : i32
      %dma_start3A_32 = tpu.memref_slice %arg6[%dma_start3A_30, %dma_start3A_31] : memref<384x48xf32, #tpu.memory_space<hbm>> -> memref<384x48xf32, #tpu.memory_space<hbm>>
      tpu.enqueue_indirect_dma source(%dma_start3A_32 : memref<384x48xf32, #tpu.memory_space<hbm>>) target(%dma_start3A_27 : memref<128x48xf32, #tpu.memory_space<vmem>>) offsets(%dma_start3A_29 : memref<128xi32, #tpu.memory_space<vmem>>) semaphore(%arg14 : memref<!tpu.dma_semaphore, #tpu.memory_space<semaphore_mem>>)
      %dma_start3A_33 = arith.constant 128 : i32
      %dma_start3A_34 = arith.constant 0 : i32
      %dma_start3A_35 = tpu.memref_slice %arg12[%dma_start3A_33, %dma_start3A_34] : memref<1024x32xf32, #tpu.memory_space<vmem>> -> memref<128x32xf32, #tpu.memory_space<vmem>>
      %dma_start3A_36 = arith.constant 128 : i32
      %dma_start3A_37 = tpu.memref_slice %arg8[%dma_start3A_36] : memref<1024xi32, #tpu.memory_space<vmem>> -> memref<128xi32, #tpu.memory_space<vmem>>
      %dma_start3A_38 = arith.constant 0 : i32
      %dma_start3A_39 = arith.constant 0 : i32
      %dma_start3A_40 = tpu.memref_slice %arg5[%dma_start3A_38, %dma_start3A_39] : memref<1000000x32xf32, #tpu.memory_space<hbm>> -> memref<1000000x32xf32, #tpu.memory_space<hbm>>
      tpu.enqueue_indirect_dma source(%dma_start3A_40 : memref<1000000x32xf32, #tpu.memory_space<hbm>>) target(%dma_start3A_35 : memref<128x32xf32, #tpu.memory_space<vmem>>) offsets(%dma_start3A_37 : memref<128xi32, #tpu.memory_space<vmem>>) semaphore(%arg14 : memref<!tpu.dma_semaphore, #tpu.memory_space<semaphore_mem>>)
      %dma_start3A_41 = arith.constant 128 : i32
      %dma_start3A_42 = arith.constant 0 : i32
      %dma_start3A_43 = tpu.memref_slice %arg13[%dma_start3A_41, %dma_start3A_42] : memref<1024x48xf32, #tpu.memory_space<vmem>> -> memref<128x48xf32, #tpu.memory_space<vmem>>
      %dma_start3A_44 = arith.constant 128 : i32
      %dma_start3A_45 = tpu.memref_slice %arg11[%dma_start3A_44] : memref<1024xi32, #tpu.memory_space<vmem>> -> memref<128xi32, #tpu.memory_space<vmem>>
      %dma_start3A_46 = arith.constant 0 : i32
      %dma_start3A_47 = arith.constant 0 : i32
      %dma_start3A_48 = tpu.memref_slice %arg6[%dma_start3A_46, %dma_start3A_47] : memref<384x48xf32, #tpu.memory_space<hbm>> -> memref<384x48xf32, #tpu.memory_space<hbm>>
      tpu.enqueue_indirect_dma source(%dma_start3A_48 : memref<384x48xf32, #tpu.memory_space<hbm>>) target(%dma_start3A_43 : memref<128x48xf32, #tpu.memory_space<vmem>>) offsets(%dma_start3A_45 : memref<128xi32, #tpu.memory_space<vmem>>) semaphore(%arg14 : memref<!tpu.dma_semaphore, #tpu.memory_space<semaphore_mem>>)
      %dma_start3A_49 = arith.constant 256 : i32
      %dma_start3A_50 = arith.constant 0 : i32
      %dma_start3A_51 = tpu.memref_slice %arg12[%dma_start3A_49, %dma_start3A_50] : memref<1024x32xf32, #tpu.memory_space<vmem>> -> memref<128x32xf32, #tpu.memory_space<vmem>>
      %dma_start3A_52 = arith.constant 256 : i32
      %dma_start3A_53 = tpu.memref_slice %arg8[%dma_start3A_52] : memref<1024xi32, #tpu.memory_space<vmem>> -> memref<128xi32, #tpu.memory_space<vmem>>
      %dma_start3A_54 = arith.constant 0 : i32
      %dma_start3A_55 = arith.constant 0 : i32
      %dma_start3A_56 = tpu.memref_slice %arg5[%dma_start3A_54, %dma_start3A_55] : memref<1000000x32xf32, #tpu.memory_space<hbm>> -> memref<1000000x32xf32, #tpu.memory_space<hbm>>
      tpu.enqueue_indirect_dma source(%dma_start3A_56 : memref<1000000x32xf32, #tpu.memory_space<hbm>>) target(%dma_start3A_51 : memref<128x32xf32, #tpu.memory_space<vmem>>) offsets(%dma_start3A_53 : memref<128xi32, #tpu.memory_space<vmem>>) semaphore(%arg14 : memref<!tpu.dma_semaphore, #tpu.memory_space<semaphore_mem>>)
      %dma_start3A_57 = arith.constant 256 : i32
      %dma_start3A_58 = arith.constant 0 : i32
      %dma_start3A_59 = tpu.memref_slice %arg13[%dma_start3A_57, %dma_start3A_58] : memref<1024x48xf32, #tpu.memory_space<vmem>> -> memref<128x48xf32, #tpu.memory_space<vmem>>
      %dma_start3A_60 = arith.constant 256 : i32
      %dma_start3A_61 = tpu.memref_slice %arg11[%dma_start3A_60] : memref<1024xi32, #tpu.memory_space<vmem>> -> memref<128xi32, #tpu.memory_space<vmem>>
      %dma_start3A_62 = arith.constant 0 : i32
      %dma_start3A_63 = arith.constant 0 : i32
      %dma_start3A_64 = tpu.memref_slice %arg6[%dma_start3A_62, %dma_start3A_63] : memref<384x48xf32, #tpu.memory_space<hbm>> -> memref<384x48xf32, #tpu.memory_space<hbm>>
      tpu.enqueue_indirect_dma source(%dma_start3A_64 : memref<384x48xf32, #tpu.memory_space<hbm>>) target(%dma_start3A_59 : memref<128x48xf32, #tpu.memory_space<vmem>>) offsets(%dma_start3A_61 : memref<128xi32, #tpu.memory_space<vmem>>) semaphore(%arg14 : memref<!tpu.dma_semaphore, #tpu.memory_space<semaphore_mem>>)
      %dma_start3A_65 = arith.constant 384 : i32
      %dma_start3A_66 = arith.constant 0 : i32
      %dma_start3A_67 = tpu.memref_slice %arg12[%dma_start3A_65, %dma_start3A_66] : memref<1024x32xf32, #tpu.memory_space<vmem>> -> memref<128x32xf32, #tpu.memory_space<vmem>>
      %dma_start3A_68 = arith.constant 384 : i32
      %dma_start3A_69 = tpu.memref_slice %arg8[%dma_start3A_68] : memref<1024xi32, #tpu.memory_space<vmem>> -> memref<128xi32, #tpu.memory_space<vmem>>
      %dma_start3A_70 = arith.constant 0 : i32
      %dma_start3A_71 = arith.constant 0 : i32
      %dma_start3A_72 = tpu.memref_slice %arg5[%dma_start3A_70, %dma_start3A_71] : memref<1000000x32xf32, #tpu.memory_space<hbm>> -> memref<1000000x32xf32, #tpu.memory_space<hbm>>
      tpu.enqueue_indirect_dma source(%dma_start3A_72 : memref<1000000x32xf32, #tpu.memory_space<hbm>>) target(%dma_start3A_67 : memref<128x32xf32, #tpu.memory_space<vmem>>) offsets(%dma_start3A_69 : memref<128xi32, #tpu.memory_space<vmem>>) semaphore(%arg14 : memref<!tpu.dma_semaphore, #tpu.memory_space<semaphore_mem>>)
      %dma_start3A_73 = arith.constant 384 : i32
      %dma_start3A_74 = arith.constant 0 : i32
      %dma_start3A_75 = tpu.memref_slice %arg13[%dma_start3A_73, %dma_start3A_74] : memref<1024x48xf32, #tpu.memory_space<vmem>> -> memref<128x48xf32, #tpu.memory_space<vmem>>
      %dma_start3A_76 = arith.constant 384 : i32
      %dma_start3A_77 = tpu.memref_slice %arg11[%dma_start3A_76] : memref<1024xi32, #tpu.memory_space<vmem>> -> memref<128xi32, #tpu.memory_space<vmem>>
      %dma_start3A_78 = arith.constant 0 : i32
      %dma_start3A_79 = arith.constant 0 : i32
      %dma_start3A_80 = tpu.memref_slice %arg6[%dma_start3A_78, %dma_start3A_79] : memref<384x48xf32, #tpu.memory_space<hbm>> -> memref<384x48xf32, #tpu.memory_space<hbm>>
      tpu.enqueue_indirect_dma source(%dma_start3A_80 : memref<384x48xf32, #tpu.memory_space<hbm>>) target(%dma_start3A_75 : memref<128x48xf32, #tpu.memory_space<vmem>>) offsets(%dma_start3A_77 : memref<128xi32, #tpu.memory_space<vmem>>) semaphore(%arg14 : memref<!tpu.dma_semaphore, #tpu.memory_space<semaphore_mem>>)
      %dma_start3A_81 = arith.constant 512 : i32
      %dma_start3A_82 = arith.constant 0 : i32
      %dma_start3A_83 = tpu.memref_slice %arg12[%dma_start3A_81, %dma_start3A_82] : memref<1024x32xf32, #tpu.memory_space<vmem>> -> memref<128x32xf32, #tpu.memory_space<vmem>>
      %dma_start3A_84 = arith.constant 512 : i32
      %dma_start3A_85 = tpu.memref_slice %arg8[%dma_start3A_84] : memref<1024xi32, #tpu.memory_space<vmem>> -> memref<128xi32, #tpu.memory_space<vmem>>
      %dma_start3A_86 = arith.constant 0 : i32
      %dma_start3A_87 = arith.constant 0 : i32
      %dma_start3A_88 = tpu.memref_slice %arg5[%dma_start3A_86, %dma_start3A_87] : memref<1000000x32xf32, #tpu.memory_space<hbm>> -> memref<1000000x32xf32, #tpu.memory_space<hbm>>
      tpu.enqueue_indirect_dma source(%dma_start3A_88 : memref<1000000x32xf32, #tpu.memory_space<hbm>>) target(%dma_start3A_83 : memref<128x32xf32, #tpu.memory_space<vmem>>) offsets(%dma_start3A_85 : memref<128xi32, #tpu.memory_space<vmem>>) semaphore(%arg14 : memref<!tpu.dma_semaphore, #tpu.memory_space<semaphore_mem>>)
      %dma_start3A_89 = arith.constant 512 : i32
      %dma_start3A_90 = arith.constant 0 : i32
      %dma_start3A_91 = tpu.memref_slice %arg13[%dma_start3A_89, %dma_start3A_90] : memref<1024x48xf32, #tpu.memory_space<vmem>> -> memref<128x48xf32, #tpu.memory_space<vmem>>
      %dma_start3A_92 = arith.constant 512 : i32
      %dma_start3A_93 = tpu.memref_slice %arg11[%dma_start3A_92] : memref<1024xi32, #tpu.memory_space<vmem>> -> memref<128xi32, #tpu.memory_space<vmem>>
      %dma_start3A_94 = arith.constant 0 : i32
      %dma_start3A_95 = arith.constant 0 : i32
      %dma_start3A_96 = tpu.memref_slice %arg6[%dma_start3A_94, %dma_start3A_95] : memref<384x48xf32, #tpu.memory_space<hbm>> -> memref<384x48xf32, #tpu.memory_space<hbm>>
      tpu.enqueue_indirect_dma source(%dma_start3A_96 : memref<384x48xf32, #tpu.memory_space<hbm>>) target(%dma_start3A_91 : memref<128x48xf32, #tpu.memory_space<vmem>>) offsets(%dma_start3A_93 : memref<128xi32, #tpu.memory_space<vmem>>) semaphore(%arg14 : memref<!tpu.dma_semaphore, #tpu.memory_space<semaphore_mem>>)
      %dma_start3A_97 = arith.constant 640 : i32
      %dma_start3A_98 = arith.constant 0 : i32
      %dma_start3A_99 = tpu.memref_slice %arg12[%dma_start3A_97, %dma_start3A_98] : memref<1024x32xf32, #tpu.memory_space<vmem>> -> memref<128x32xf32, #tpu.memory_space<vmem>>
      %dma_start3A_100 = arith.constant 640 : i32
      %dma_start3A_101 = tpu.memref_slice %arg8[%dma_start3A_100] : memref<1024xi32, #tpu.memory_space<vmem>> -> memref<128xi32, #tpu.memory_space<vmem>>
      %dma_start3A_102 = arith.constant 0 : i32
      %dma_start3A_103 = arith.constant 0 : i32
      %dma_start3A_104 = tpu.memref_slice %arg5[%dma_start3A_102, %dma_start3A_103] : memref<1000000x32xf32, #tpu.memory_space<hbm>> -> memref<1000000x32xf32, #tpu.memory_space<hbm>>
      tpu.enqueue_indirect_dma source(%dma_start3A_104 : memref<1000000x32xf32, #tpu.memory_space<hbm>>) target(%dma_start3A_99 : memref<128x32xf32, #tpu.memory_space<vmem>>) offsets(%dma_start3A_101 : memref<128xi32, #tpu.memory_space<vmem>>) semaphore(%arg14 : memref<!tpu.dma_semaphore, #tpu.memory_space<semaphore_mem>>)
      %dma_start3A_105 = arith.constant 640 : i32
      %dma_start3A_106 = arith.constant 0 : i32
      %dma_start3A_107 = tpu.memref_slice %arg13[%dma_start3A_105, %dma_start3A_106] : memref<1024x48xf32, #tpu.memory_space<vmem>> -> memref<128x48xf32, #tpu.memory_space<vmem>>
      %dma_start3A_108 = arith.constant 640 : i32
      %dma_start3A_109 = tpu.memref_slice %arg11[%dma_start3A_108] : memref<1024xi32, #tpu.memory_space<vmem>> -> memref<128xi32, #tpu.memory_space<vmem>>
      %dma_start3A_110 = arith.constant 0 : i32
      %dma_start3A_111 = arith.constant 0 : i32
      %dma_start3A_112 = tpu.memref_slice %arg6[%dma_start3A_110, %dma_start3A_111] : memref<384x48xf32, #tpu.memory_space<hbm>> -> memref<384x48xf32, #tpu.memory_space<hbm>>
      tpu.enqueue_indirect_dma source(%dma_start3A_112 : memref<384x48xf32, #tpu.memory_space<hbm>>) target(%dma_start3A_107 : memref<128x48xf32, #tpu.memory_space<vmem>>) offsets(%dma_start3A_109 : memref<128xi32, #tpu.memory_space<vmem>>) semaphore(%arg14 : memref<!tpu.dma_semaphore, #tpu.memory_space<semaphore_mem>>)
      %dma_start3A_113 = arith.constant 768 : i32
      %dma_start3A_114 = arith.constant 0 : i32
      %dma_start3A_115 = tpu.memref_slice %arg12[%dma_start3A_113, %dma_start3A_114] : memref<1024x32xf32, #tpu.memory_space<vmem>> -> memref<128x32xf32, #tpu.memory_space<vmem>>
      %dma_start3A_116 = arith.constant 768 : i32
      %dma_start3A_117 = tpu.memref_slice %arg8[%dma_start3A_116] : memref<1024xi32, #tpu.memory_space<vmem>> -> memref<128xi32, #tpu.memory_space<vmem>>
      %dma_start3A_118 = arith.constant 0 : i32
      %dma_start3A_119 = arith.constant 0 : i32
      %dma_start3A_120 = tpu.memref_slice %arg5[%dma_start3A_118, %dma_start3A_119] : memref<1000000x32xf32, #tpu.memory_space<hbm>> -> memref<1000000x32xf32, #tpu.memory_space<hbm>>
      tpu.enqueue_indirect_dma source(%dma_start3A_120 : memref<1000000x32xf32, #tpu.memory_space<hbm>>) target(%dma_start3A_115 : memref<128x32xf32, #tpu.memory_space<vmem>>) offsets(%dma_start3A_117 : memref<128xi32, #tpu.memory_space<vmem>>) semaphore(%arg14 : memref<!tpu.dma_semaphore, #tpu.memory_space<semaphore_mem>>)
      %dma_start3A_121 = arith.constant 768 : i32
      %dma_start3A_122 = arith.constant 0 : i32
      %dma_start3A_123 = tpu.memref_slice %arg13[%dma_start3A_121, %dma_start3A_122] : memref<1024x48xf32, #tpu.memory_space<vmem>> -> memref<128x48xf32, #tpu.memory_space<vmem>>
      %dma_start3A_124 = arith.constant 768 : i32
      %dma_start3A_125 = tpu.memref_slice %arg11[%dma_start3A_124] : memref<1024xi32, #tpu.memory_space<vmem>> -> memref<128xi32, #tpu.memory_space<vmem>>
      %dma_start3A_126 = arith.constant 0 : i32
      %dma_start3A_127 = arith.constant 0 : i32
      %dma_start3A_128 = tpu.memref_slice %arg6[%dma_start3A_126, %dma_start3A_127] : memref<384x48xf32, #tpu.memory_space<hbm>> -> memref<384x48xf32, #tpu.memory_space<hbm>>
      tpu.enqueue_indirect_dma source(%dma_start3A_128 : memref<384x48xf32, #tpu.memory_space<hbm>>) target(%dma_start3A_123 : memref<128x48xf32, #tpu.memory_space<vmem>>) offsets(%dma_start3A_125 : memref<128xi32, #tpu.memory_space<vmem>>) semaphore(%arg14 : memref<!tpu.dma_semaphore, #tpu.memory_space<semaphore_mem>>)
      %dma_start3A_129 = arith.constant 896 : i32
      %dma_start3A_130 = arith.constant 0 : i32
      %dma_start3A_131 = tpu.memref_slice %arg12[%dma_start3A_129, %dma_start3A_130] : memref<1024x32xf32, #tpu.memory_space<vmem>> -> memref<128x32xf32, #tpu.memory_space<vmem>>
      %dma_start3A_132 = arith.constant 896 : i32
      %dma_start3A_133 = tpu.memref_slice %arg8[%dma_start3A_132] : memref<1024xi32, #tpu.memory_space<vmem>> -> memref<128xi32, #tpu.memory_space<vmem>>
      %dma_start3A_134 = arith.constant 0 : i32
      %dma_start3A_135 = arith.constant 0 : i32
      %dma_start3A_136 = tpu.memref_slice %arg5[%dma_start3A_134, %dma_start3A_135] : memref<1000000x32xf32, #tpu.memory_space<hbm>> -> memref<1000000x32xf32, #tpu.memory_space<hbm>>
      tpu.enqueue_indirect_dma source(%dma_start3A_136 : memref<1000000x32xf32, #tpu.memory_space<hbm>>) target(%dma_start3A_131 : memref<128x32xf32, #tpu.memory_space<vmem>>) offsets(%dma_start3A_133 : memref<128xi32, #tpu.memory_space<vmem>>) semaphore(%arg14 : memref<!tpu.dma_semaphore, #tpu.memory_space<semaphore_mem>>)
      %dma_start3A_137 = arith.constant 896 : i32
      %dma_start3A_138 = arith.constant 0 : i32
      %dma_start3A_139 = tpu.memref_slice %arg13[%dma_start3A_137, %dma_start3A_138] : memref<1024x48xf32, #tpu.memory_space<vmem>> -> memref<128x48xf32, #tpu.memory_space<vmem>>
      %dma_start3A_140 = arith.constant 896 : i32
      %dma_start3A_141 = tpu.memref_slice %arg11[%dma_start3A_140] : memref<1024xi32, #tpu.memory_space<vmem>> -> memref<128xi32, #tpu.memory_space<vmem>>
      %dma_start3A_142 = arith.constant 0 : i32
      %dma_start3A_143 = arith.constant 0 : i32
      %dma_start3A_144 = tpu.memref_slice %arg6[%dma_start3A_142, %dma_start3A_143] : memref<384x48xf32, #tpu.memory_space<hbm>> -> memref<384x48xf32, #tpu.memory_space<hbm>>
      tpu.enqueue_indirect_dma source(%dma_start3A_144 : memref<384x48xf32, #tpu.memory_space<hbm>>) target(%dma_start3A_139 : memref<128x48xf32, #tpu.memory_space<vmem>>) offsets(%dma_start3A_141 : memref<128xi32, #tpu.memory_space<vmem>>) semaphore(%arg14 : memref<!tpu.dma_semaphore, #tpu.memory_space<semaphore_mem>>)
      %dma_wait3A = arith.constant 0 : i32
      %dma_wait3A_145 = arith.constant 0 : i32
      %dma_wait3A_146 = tpu.memref_slice %arg12[%dma_wait3A, %dma_wait3A_145] : memref<1024x32xf32, #tpu.memory_space<vmem>> -> memref<128x32xf32, #tpu.memory_space<vmem>>
      %dma_wait3A_147 = arith.constant 0 : i32
      %dma_wait3A_148 = tpu.memref_slice %arg8[%dma_wait3A_147] : memref<1024xi32, #tpu.memory_space<vmem>> -> memref<128xi32, #tpu.memory_space<vmem>>
      %dma_wait3A_149 = arith.constant 0 : i32
      %dma_wait3A_150 = arith.constant 0 : i32
      %dma_wait3A_151 = tpu.memref_slice %arg5[%dma_wait3A_149, %dma_wait3A_150] : memref<1000000x32xf32, #tpu.memory_space<hbm>> -> memref<1000000x32xf32, #tpu.memory_space<hbm>>
      tpu.wait_indirect_dma semaphore(%arg14 : memref<!tpu.dma_semaphore, #tpu.memory_space<semaphore_mem>>) src(%dma_wait3A_151 : memref<1000000x32xf32, #tpu.memory_space<hbm>>) dst(%dma_wait3A_146 : memref<128x32xf32, #tpu.memory_space<vmem>>)
      %dma_wait3A_152 = arith.constant 0 : i32
      %dma_wait3A_153 = arith.constant 0 : i32
      %dma_wait3A_154 = tpu.memref_slice %arg13[%dma_wait3A_152, %dma_wait3A_153] : memref<1024x48xf32, #tpu.memory_space<vmem>> -> memref<128x48xf32, #tpu.memory_space<vmem>>
      %dma_wait3A_155 = arith.constant 0 : i32
      %dma_wait3A_156 = tpu.memref_slice %arg11[%dma_wait3A_155] : memref<1024xi32, #tpu.memory_space<vmem>> -> memref<128xi32, #tpu.memory_space<vmem>>
      %dma_wait3A_157 = arith.constant 0 : i32
      %dma_wait3A_158 = arith.constant 0 : i32
      %dma_wait3A_159 = tpu.memref_slice %arg6[%dma_wait3A_157, %dma_wait3A_158] : memref<384x48xf32, #tpu.memory_space<hbm>> -> memref<384x48xf32, #tpu.memory_space<hbm>>
      tpu.wait_indirect_dma semaphore(%arg14 : memref<!tpu.dma_semaphore, #tpu.memory_space<semaphore_mem>>) src(%dma_wait3A_159 : memref<384x48xf32, #tpu.memory_space<hbm>>) dst(%dma_wait3A_154 : memref<128x48xf32, #tpu.memory_space<vmem>>)
      %dma_wait3A_160 = arith.constant 128 : i32
      %dma_wait3A_161 = arith.constant 0 : i32
      %dma_wait3A_162 = tpu.memref_slice %arg12[%dma_wait3A_160, %dma_wait3A_161] : memref<1024x32xf32, #tpu.memory_space<vmem>> -> memref<128x32xf32, #tpu.memory_space<vmem>>
      %dma_wait3A_163 = arith.constant 128 : i32
      %dma_wait3A_164 = tpu.memref_slice %arg8[%dma_wait3A_163] : memref<1024xi32, #tpu.memory_space<vmem>> -> memref<128xi32, #tpu.memory_space<vmem>>
      %dma_wait3A_165 = arith.constant 0 : i32
      %dma_wait3A_166 = arith.constant 0 : i32
      %dma_wait3A_167 = tpu.memref_slice %arg5[%dma_wait3A_165, %dma_wait3A_166] : memref<1000000x32xf32, #tpu.memory_space<hbm>> -> memref<1000000x32xf32, #tpu.memory_space<hbm>>
      tpu.wait_indirect_dma semaphore(%arg14 : memref<!tpu.dma_semaphore, #tpu.memory_space<semaphore_mem>>) src(%dma_wait3A_167 : memref<1000000x32xf32, #tpu.memory_space<hbm>>) dst(%dma_wait3A_162 : memref<128x32xf32, #tpu.memory_space<vmem>>)
      %dma_wait3A_168 = arith.constant 128 : i32
      %dma_wait3A_169 = arith.constant 0 : i32
      %dma_wait3A_170 = tpu.memref_slice %arg13[%dma_wait3A_168, %dma_wait3A_169] : memref<1024x48xf32, #tpu.memory_space<vmem>> -> memref<128x48xf32, #tpu.memory_space<vmem>>
      %dma_wait3A_171 = arith.constant 128 : i32
      %dma_wait3A_172 = tpu.memref_slice %arg11[%dma_wait3A_171] : memref<1024xi32, #tpu.memory_space<vmem>> -> memref<128xi32, #tpu.memory_space<vmem>>
      %dma_wait3A_173 = arith.constant 0 : i32
      %dma_wait3A_174 = arith.constant 0 : i32
      %dma_wait3A_175 = tpu.memref_slice %arg6[%dma_wait3A_173, %dma_wait3A_174] : memref<384x48xf32, #tpu.memory_space<hbm>> -> memref<384x48xf32, #tpu.memory_space<hbm>>
      tpu.wait_indirect_dma semaphore(%arg14 : memref<!tpu.dma_semaphore, #tpu.memory_space<semaphore_mem>>) src(%dma_wait3A_175 : memref<384x48xf32, #tpu.memory_space<hbm>>) dst(%dma_wait3A_170 : memref<128x48xf32, #tpu.memory_space<vmem>>)
      %dma_wait3A_176 = arith.constant 256 : i32
      %dma_wait3A_177 = arith.constant 0 : i32
      %dma_wait3A_178 = tpu.memref_slice %arg12[%dma_wait3A_176, %dma_wait3A_177] : memref<1024x32xf32, #tpu.memory_space<vmem>> -> memref<128x32xf32, #tpu.memory_space<vmem>>
      %dma_wait3A_179 = arith.constant 256 : i32
      %dma_wait3A_180 = tpu.memref_slice %arg8[%dma_wait3A_179] : memref<1024xi32, #tpu.memory_space<vmem>> -> memref<128xi32, #tpu.memory_space<vmem>>
      %dma_wait3A_181 = arith.constant 0 : i32
      %dma_wait3A_182 = arith.constant 0 : i32
      %dma_wait3A_183 = tpu.memref_slice %arg5[%dma_wait3A_181, %dma_wait3A_182] : memref<1000000x32xf32, #tpu.memory_space<hbm>> -> memref<1000000x32xf32, #tpu.memory_space<hbm>>
      tpu.wait_indirect_dma semaphore(%arg14 : memref<!tpu.dma_semaphore, #tpu.memory_space<semaphore_mem>>) src(%dma_wait3A_183 : memref<1000000x32xf32, #tpu.memory_space<hbm>>) dst(%dma_wait3A_178 : memref<128x32xf32, #tpu.memory_space<vmem>>)
      %dma_wait3A_184 = arith.constant 256 : i32
      %dma_wait3A_185 = arith.constant 0 : i32
      %dma_wait3A_186 = tpu.memref_slice %arg13[%dma_wait3A_184, %dma_wait3A_185] : memref<1024x48xf32, #tpu.memory_space<vmem>> -> memref<128x48xf32, #tpu.memory_space<vmem>>
      %dma_wait3A_187 = arith.constant 256 : i32
      %dma_wait3A_188 = tpu.memref_slice %arg11[%dma_wait3A_187] : memref<1024xi32, #tpu.memory_space<vmem>> -> memref<128xi32, #tpu.memory_space<vmem>>
      %dma_wait3A_189 = arith.constant 0 : i32
      %dma_wait3A_190 = arith.constant 0 : i32
      %dma_wait3A_191 = tpu.memref_slice %arg6[%dma_wait3A_189, %dma_wait3A_190] : memref<384x48xf32, #tpu.memory_space<hbm>> -> memref<384x48xf32, #tpu.memory_space<hbm>>
      tpu.wait_indirect_dma semaphore(%arg14 : memref<!tpu.dma_semaphore, #tpu.memory_space<semaphore_mem>>) src(%dma_wait3A_191 : memref<384x48xf32, #tpu.memory_space<hbm>>) dst(%dma_wait3A_186 : memref<128x48xf32, #tpu.memory_space<vmem>>)
      %dma_wait3A_192 = arith.constant 384 : i32
      %dma_wait3A_193 = arith.constant 0 : i32
      %dma_wait3A_194 = tpu.memref_slice %arg12[%dma_wait3A_192, %dma_wait3A_193] : memref<1024x32xf32, #tpu.memory_space<vmem>> -> memref<128x32xf32, #tpu.memory_space<vmem>>
      %dma_wait3A_195 = arith.constant 384 : i32
      %dma_wait3A_196 = tpu.memref_slice %arg8[%dma_wait3A_195] : memref<1024xi32, #tpu.memory_space<vmem>> -> memref<128xi32, #tpu.memory_space<vmem>>
      %dma_wait3A_197 = arith.constant 0 : i32
      %dma_wait3A_198 = arith.constant 0 : i32
      %dma_wait3A_199 = tpu.memref_slice %arg5[%dma_wait3A_197, %dma_wait3A_198] : memref<1000000x32xf32, #tpu.memory_space<hbm>> -> memref<1000000x32xf32, #tpu.memory_space<hbm>>
      tpu.wait_indirect_dma semaphore(%arg14 : memref<!tpu.dma_semaphore, #tpu.memory_space<semaphore_mem>>) src(%dma_wait3A_199 : memref<1000000x32xf32, #tpu.memory_space<hbm>>) dst(%dma_wait3A_194 : memref<128x32xf32, #tpu.memory_space<vmem>>)
      %dma_wait3A_200 = arith.constant 384 : i32
      %dma_wait3A_201 = arith.constant 0 : i32
      %dma_wait3A_202 = tpu.memref_slice %arg13[%dma_wait3A_200, %dma_wait3A_201] : memref<1024x48xf32, #tpu.memory_space<vmem>> -> memref<128x48xf32, #tpu.memory_space<vmem>>
      %dma_wait3A_203 = arith.constant 384 : i32
      %dma_wait3A_204 = tpu.memref_slice %arg11[%dma_wait3A_203] : memref<1024xi32, #tpu.memory_space<vmem>> -> memref<128xi32, #tpu.memory_space<vmem>>
      %dma_wait3A_205 = arith.constant 0 : i32
      %dma_wait3A_206 = arith.constant 0 : i32
      %dma_wait3A_207 = tpu.memref_slice %arg6[%dma_wait3A_205, %dma_wait3A_206] : memref<384x48xf32, #tpu.memory_space<hbm>> -> memref<384x48xf32, #tpu.memory_space<hbm>>
      tpu.wait_indirect_dma semaphore(%arg14 : memref<!tpu.dma_semaphore, #tpu.memory_space<semaphore_mem>>) src(%dma_wait3A_207 : memref<384x48xf32, #tpu.memory_space<hbm>>) dst(%dma_wait3A_202 : memref<128x48xf32, #tpu.memory_space<vmem>>)
      %dma_wait3A_208 = arith.constant 512 : i32
      %dma_wait3A_209 = arith.constant 0 : i32
      %dma_wait3A_210 = tpu.memref_slice %arg12[%dma_wait3A_208, %dma_wait3A_209] : memref<1024x32xf32, #tpu.memory_space<vmem>> -> memref<128x32xf32, #tpu.memory_space<vmem>>
      %dma_wait3A_211 = arith.constant 512 : i32
      %dma_wait3A_212 = tpu.memref_slice %arg8[%dma_wait3A_211] : memref<1024xi32, #tpu.memory_space<vmem>> -> memref<128xi32, #tpu.memory_space<vmem>>
      %dma_wait3A_213 = arith.constant 0 : i32
      %dma_wait3A_214 = arith.constant 0 : i32
      %dma_wait3A_215 = tpu.memref_slice %arg5[%dma_wait3A_213, %dma_wait3A_214] : memref<1000000x32xf32, #tpu.memory_space<hbm>> -> memref<1000000x32xf32, #tpu.memory_space<hbm>>
      tpu.wait_indirect_dma semaphore(%arg14 : memref<!tpu.dma_semaphore, #tpu.memory_space<semaphore_mem>>) src(%dma_wait3A_215 : memref<1000000x32xf32, #tpu.memory_space<hbm>>) dst(%dma_wait3A_210 : memref<128x32xf32, #tpu.memory_space<vmem>>)
      %dma_wait3A_216 = arith.constant 512 : i32
      %dma_wait3A_217 = arith.constant 0 : i32
      %dma_wait3A_218 = tpu.memref_slice %arg13[%dma_wait3A_216, %dma_wait3A_217] : memref<1024x48xf32, #tpu.memory_space<vmem>> -> memref<128x48xf32, #tpu.memory_space<vmem>>
      %dma_wait3A_219 = arith.constant 512 : i32
      %dma_wait3A_220 = tpu.memref_slice %arg11[%dma_wait3A_219] : memref<1024xi32, #tpu.memory_space<vmem>> -> memref<128xi32, #tpu.memory_space<vmem>>
      %dma_wait3A_221 = arith.constant 0 : i32
      %dma_wait3A_222 = arith.constant 0 : i32
      %dma_wait3A_223 = tpu.memref_slice %arg6[%dma_wait3A_221, %dma_wait3A_222] : memref<384x48xf32, #tpu.memory_space<hbm>> -> memref<384x48xf32, #tpu.memory_space<hbm>>
      tpu.wait_indirect_dma semaphore(%arg14 : memref<!tpu.dma_semaphore, #tpu.memory_space<semaphore_mem>>) src(%dma_wait3A_223 : memref<384x48xf32, #tpu.memory_space<hbm>>) dst(%dma_wait3A_218 : memref<128x48xf32, #tpu.memory_space<vmem>>)
      %dma_wait3A_224 = arith.constant 640 : i32
      %dma_wait3A_225 = arith.constant 0 : i32
      %dma_wait3A_226 = tpu.memref_slice %arg12[%dma_wait3A_224, %dma_wait3A_225] : memref<1024x32xf32, #tpu.memory_space<vmem>> -> memref<128x32xf32, #tpu.memory_space<vmem>>
      %dma_wait3A_227 = arith.constant 640 : i32
      %dma_wait3A_228 = tpu.memref_slice %arg8[%dma_wait3A_227] : memref<1024xi32, #tpu.memory_space<vmem>> -> memref<128xi32, #tpu.memory_space<vmem>>
      %dma_wait3A_229 = arith.constant 0 : i32
      %dma_wait3A_230 = arith.constant 0 : i32
      %dma_wait3A_231 = tpu.memref_slice %arg5[%dma_wait3A_229, %dma_wait3A_230] : memref<1000000x32xf32, #tpu.memory_space<hbm>> -> memref<1000000x32xf32, #tpu.memory_space<hbm>>
      tpu.wait_indirect_dma semaphore(%arg14 : memref<!tpu.dma_semaphore, #tpu.memory_space<semaphore_mem>>) src(%dma_wait3A_231 : memref<1000000x32xf32, #tpu.memory_space<hbm>>) dst(%dma_wait3A_226 : memref<128x32xf32, #tpu.memory_space<vmem>>)
      %dma_wait3A_232 = arith.constant 640 : i32
      %dma_wait3A_233 = arith.constant 0 : i32
      %dma_wait3A_234 = tpu.memref_slice %arg13[%dma_wait3A_232, %dma_wait3A_233] : memref<1024x48xf32, #tpu.memory_space<vmem>> -> memref<128x48xf32, #tpu.memory_space<vmem>>
      %dma_wait3A_235 = arith.constant 640 : i32
      %dma_wait3A_236 = tpu.memref_slice %arg11[%dma_wait3A_235] : memref<1024xi32, #tpu.memory_space<vmem>> -> memref<128xi32, #tpu.memory_space<vmem>>
      %dma_wait3A_237 = arith.constant 0 : i32
      %dma_wait3A_238 = arith.constant 0 : i32
      %dma_wait3A_239 = tpu.memref_slice %arg6[%dma_wait3A_237, %dma_wait3A_238] : memref<384x48xf32, #tpu.memory_space<hbm>> -> memref<384x48xf32, #tpu.memory_space<hbm>>
      tpu.wait_indirect_dma semaphore(%arg14 : memref<!tpu.dma_semaphore, #tpu.memory_space<semaphore_mem>>) src(%dma_wait3A_239 : memref<384x48xf32, #tpu.memory_space<hbm>>) dst(%dma_wait3A_234 : memref<128x48xf32, #tpu.memory_space<vmem>>)
      %dma_wait3A_240 = arith.constant 768 : i32
      %dma_wait3A_241 = arith.constant 0 : i32
      %dma_wait3A_242 = tpu.memref_slice %arg12[%dma_wait3A_240, %dma_wait3A_241] : memref<1024x32xf32, #tpu.memory_space<vmem>> -> memref<128x32xf32, #tpu.memory_space<vmem>>
      %dma_wait3A_243 = arith.constant 768 : i32
      %dma_wait3A_244 = tpu.memref_slice %arg8[%dma_wait3A_243] : memref<1024xi32, #tpu.memory_space<vmem>> -> memref<128xi32, #tpu.memory_space<vmem>>
      %dma_wait3A_245 = arith.constant 0 : i32
      %dma_wait3A_246 = arith.constant 0 : i32
      %dma_wait3A_247 = tpu.memref_slice %arg5[%dma_wait3A_245, %dma_wait3A_246] : memref<1000000x32xf32, #tpu.memory_space<hbm>> -> memref<1000000x32xf32, #tpu.memory_space<hbm>>
      tpu.wait_indirect_dma semaphore(%arg14 : memref<!tpu.dma_semaphore, #tpu.memory_space<semaphore_mem>>) src(%dma_wait3A_247 : memref<1000000x32xf32, #tpu.memory_space<hbm>>) dst(%dma_wait3A_242 : memref<128x32xf32, #tpu.memory_space<vmem>>)
      %dma_wait3A_248 = arith.constant 768 : i32
      %dma_wait3A_249 = arith.constant 0 : i32
      %dma_wait3A_250 = tpu.memref_slice %arg13[%dma_wait3A_248, %dma_wait3A_249] : memref<1024x48xf32, #tpu.memory_space<vmem>> -> memref<128x48xf32, #tpu.memory_space<vmem>>
      %dma_wait3A_251 = arith.constant 768 : i32
      %dma_wait3A_252 = tpu.memref_slice %arg11[%dma_wait3A_251] : memref<1024xi32, #tpu.memory_space<vmem>> -> memref<128xi32, #tpu.memory_space<vmem>>
      %dma_wait3A_253 = arith.constant 0 : i32
      %dma_wait3A_254 = arith.constant 0 : i32
      %dma_wait3A_255 = tpu.memref_slice %arg6[%dma_wait3A_253, %dma_wait3A_254] : memref<384x48xf32, #tpu.memory_space<hbm>> -> memref<384x48xf32, #tpu.memory_space<hbm>>
      tpu.wait_indirect_dma semaphore(%arg14 : memref<!tpu.dma_semaphore, #tpu.memory_space<semaphore_mem>>) src(%dma_wait3A_255 : memref<384x48xf32, #tpu.memory_space<hbm>>) dst(%dma_wait3A_250 : memref<128x48xf32, #tpu.memory_space<vmem>>)
      %dma_wait3A_256 = arith.constant 896 : i32
      %dma_wait3A_257 = arith.constant 0 : i32
      %dma_wait3A_258 = tpu.memref_slice %arg12[%dma_wait3A_256, %dma_wait3A_257] : memref<1024x32xf32, #tpu.memory_space<vmem>> -> memref<128x32xf32, #tpu.memory_space<vmem>>
      %dma_wait3A_259 = arith.constant 896 : i32
      %dma_wait3A_260 = tpu.memref_slice %arg8[%dma_wait3A_259] : memref<1024xi32, #tpu.memory_space<vmem>> -> memref<128xi32, #tpu.memory_space<vmem>>
      %dma_wait3A_261 = arith.constant 0 : i32
      %dma_wait3A_262 = arith.constant 0 : i32
      %dma_wait3A_263 = tpu.memref_slice %arg5[%dma_wait3A_261, %dma_wait3A_262] : memref<1000000x32xf32, #tpu.memory_space<hbm>> -> memref<1000000x32xf32, #tpu.memory_space<hbm>>
      tpu.wait_indirect_dma semaphore(%arg14 : memref<!tpu.dma_semaphore, #tpu.memory_space<semaphore_mem>>) src(%dma_wait3A_263 : memref<1000000x32xf32, #tpu.memory_space<hbm>>) dst(%dma_wait3A_258 : memref<128x32xf32, #tpu.memory_space<vmem>>)
      %dma_wait3A_264 = arith.constant 896 : i32
      %dma_wait3A_265 = arith.constant 0 : i32
      %dma_wait3A_266 = tpu.memref_slice %arg13[%dma_wait3A_264, %dma_wait3A_265] : memref<1024x48xf32, #tpu.memory_space<vmem>> -> memref<128x48xf32, #tpu.memory_space<vmem>>
      %dma_wait3A_267 = arith.constant 896 : i32
      %dma_wait3A_268 = tpu.memref_slice %arg11[%dma_wait3A_267] : memref<1024xi32, #tpu.memory_space<vmem>> -> memref<128xi32, #tpu.memory_space<vmem>>
      %dma_wait3A_269 = arith.constant 0 : i32
      %dma_wait3A_270 = arith.constant 0 : i32
      %dma_wait3A_271 = tpu.memref_slice %arg6[%dma_wait3A_269, %dma_wait3A_270] : memref<384x48xf32, #tpu.memory_space<hbm>> -> memref<384x48xf32, #tpu.memory_space<hbm>>
      tpu.wait_indirect_dma semaphore(%arg14 : memref<!tpu.dma_semaphore, #tpu.memory_space<semaphore_mem>>) src(%dma_wait3A_271 : memref<384x48xf32, #tpu.memory_space<hbm>>) dst(%dma_wait3A_266 : memref<128x48xf32, #tpu.memory_space<vmem>>)
      "tpu.region"() ({
        %run_scoped3A = tpu.sem_alloc : memref<!tpu.dma_semaphore, #tpu.memory_space<semaphore_mem>>
        %dma_start3A_272 = arith.constant 0 : i32
        %dma_start3A_273 = tpu.memref_slice %arg7[%add3A_11, %dma_start3A_272] : memref<819200x128xf32, #tpu.memory_space<hbm>> -> memref<1024x32xf32, #tpu.memory_space<hbm>>
        %dma_start3A_274 = arith.constant 0 : i32
        %dma_start3A_275 = tpu.memref_slice %arg7[%add3A_11, %dma_start3A_274] : memref<819200x128xf32, #tpu.memory_space<hbm>> -> memref<1024x32xf32, #tpu.memory_space<hbm>>
        tpu.enqueue_dma source(%arg12 : memref<1024x32xf32, #tpu.memory_space<vmem>>) target(%dma_start3A_275 : memref<1024x32xf32, #tpu.memory_space<hbm>>) target_semaphore(%run_scoped3A : memref<!tpu.dma_semaphore, #tpu.memory_space<semaphore_mem>>)
        %dma_wait3A_276 = arith.constant 0 : i32
        %dma_wait3A_277 = tpu.memref_slice %arg7[%add3A_11, %dma_wait3A_276] : memref<819200x128xf32, #tpu.memory_space<hbm>> -> memref<1024x32xf32, #tpu.memory_space<hbm>>
        %dma_wait3A_278 = arith.constant 0 : i32
        %dma_wait3A_279 = tpu.memref_slice %arg7[%add3A_11, %dma_wait3A_278] : memref<819200x128xf32, #tpu.memory_space<hbm>> -> memref<1024x32xf32, #tpu.memory_space<hbm>>
        tpu.wait_dma2 semaphore(%run_scoped3A : memref<!tpu.dma_semaphore, #tpu.memory_space<semaphore_mem>>) src(%arg12 : memref<1024x32xf32, #tpu.memory_space<vmem>>) dst(%dma_wait3A_279 : memref<1024x32xf32, #tpu.memory_space<hbm>>)
        tpu.yield
      }) : () -> ()
      "tpu.region"() ({
        %run_scoped3A = tpu.sem_alloc : memref<!tpu.dma_semaphore, #tpu.memory_space<semaphore_mem>>
        %dma_start3A_272 = arith.constant 32 : i32
        %dma_start3A_273 = tpu.memref_slice %arg7[%add3A_11, %dma_start3A_272] : memref<819200x128xf32, #tpu.memory_space<hbm>> -> memref<1024x48xf32, #tpu.memory_space<hbm>>
        %dma_start3A_274 = arith.constant 32 : i32
        %dma_start3A_275 = tpu.memref_slice %arg7[%add3A_11, %dma_start3A_274] : memref<819200x128xf32, #tpu.memory_space<hbm>> -> memref<1024x48xf32, #tpu.memory_space<hbm>>
        tpu.enqueue_dma source(%arg13 : memref<1024x48xf32, #tpu.memory_space<vmem>>) target(%dma_start3A_275 : memref<1024x48xf32, #tpu.memory_space<hbm>>) target_semaphore(%run_scoped3A : memref<!tpu.dma_semaphore, #tpu.memory_space<semaphore_mem>>)
        %dma_wait3A_276 = arith.constant 32 : i32
        %dma_wait3A_277 = tpu.memref_slice %arg7[%add3A_11, %dma_wait3A_276] : memref<819200x128xf32, #tpu.memory_space<hbm>> -> memref<1024x48xf32, #tpu.memory_space<hbm>>
        %dma_wait3A_278 = arith.constant 32 : i32
        %dma_wait3A_279 = tpu.memref_slice %arg7[%add3A_11, %dma_wait3A_278] : memref<819200x128xf32, #tpu.memory_space<hbm>> -> memref<1024x48xf32, #tpu.memory_space<hbm>>
        tpu.wait_dma2 semaphore(%run_scoped3A : memref<!tpu.dma_semaphore, #tpu.memory_space<semaphore_mem>>) src(%arg13 : memref<1024x48xf32, #tpu.memory_space<vmem>>) dst(%dma_wait3A_279 : memref<1024x48xf32, #tpu.memory_space<hbm>>)
        tpu.yield
      }) : () -> ()
    }
    %scan3A_7 = arith.constant 25 : i32
    return
  }
}

</mosaic_0001>

<sc_bundles>
// kernel: _run.3.cloned.1.call-start
scs
__scs_entry_jumppad:
0x0: {  	(pc) =	sbr.rel $0x88, $3  }
0x1: {  	(tag) =	ssettag $0x0;
	lr =	simm.s32 $0x1  }
0x2: {  	[smem:$0x3F9C] =	sst lr;
	_ =	strace $0xD0000000  }
0x3: {  	_ = 	snop  }
0x4: {  	_ = 	snop  }
0x5: {  	_ = 	snop  }
0x6: {  	_ = 	snop  }
0x7: {  	_ = 	snop  }
__scs_overlays_trampoline_lowered:
0x8: {  	[smem:$0x3FAB] =	sst s0  }
0x9: {  	[smem:$0x3FAC] =	sst s1  }
0xa: {  	[smem:$0x3FAD] =	sst s2  }
0xb: {  	[smem:$0x3FAE] =	sst s3  }
0xc: {  	[smem:$0x3FAF] =	sst s4  }
0xd: {  	[smem:$0x3FB0] =	sst s5  }
0xe: {  	[smem:$0x3FB1] =	sst s6  }
0xf: {  	[smem:$0x3FB2] =	sst s7  }
0x10: {  	[smem:$0x3FB3] =	sst s8  }
0x11: {  	[smem:$0x3FB4] =	sst s9;
	s0 =	simm.s32 @!p0 $0x0  }
0x12: {  	s1 =	sld [smem:$0x3F9A];
	s0 =	simm.s32 @p0 $0x1  }
0x13: {  	[smem:$0x3FB5] =	sst s0;
	s0 =	simm.s32 @!p1 $0x0  }
0x14: {  	s2 =	sld [smem:$0x3F99];
	s0 =	simm.s32 @p1 $0x1  }
0x15: {  	[smem:$0x3FB6] =	sst s0;
	s0 =	simm.s32 @!p2 $0x0  }
0x16: {  	s3 =	sld [smem:$0x3FDB];
	s0 =	simm.s32 @p2 $0x1  }
0x17: {  	s4 =	simm.s32 $0x1BF5;
	[smem:$0x3FB8] =	sst s0  }
0x18: {  	s0 =	sld [smem:$0x3F9B];
	_ =	swait.ge [sflag:s4], $0x0  }
0x19: {  	s7 =	sld [smem:$0x3F9C]  }
0x1a: {  	s8 =	sadd.s32 $0xFFFFE003, lr  }
0x1b: {  	s9 =	sadd.s32 $0xFFFFFEF7, lr;
	s5 =	simm.s32 $0xFFFFFFFF;
	p2 =	slt.u32 s8, $0xFFFFF086  }
0x1c: {  	p1 =	slt.u32 s9, $0xF7A;
	s5 =	simm.s32 @!p2 $0x0  }
0x1d: {  	s5 =	simm.s32 @p1 $0x1;
	p0 =	seq.s32 s7, s2  }
0x1e: {  	s7 =	smul.u32 @!p0 $0xF7A, s2;
	p2 =	seq.s32 @!p0 s5, $0x0  }
0x1f: {  	s9 =	smul.u32 $0xF7A, s1;
	s8 =	simm.s32 @!p0 $0x1BF5;
	p2 =	por !p2, p0  }
0x20: {  	[sflag:s8] =	ssyncset.s32 @!p0 $0xFFFFF086;
	s6 =	sadd.s32 @!p0 s3, s7;
	s7 =	simm.s32 @!p0 $0x108  }
0x21: {  	s3 =	sadd.s32 s3, s9;
	s6 =	sadd.s32 @!p0 $0x88, s6;
	s7 =	simm.s32 @p2 $0x1082  }
0x22: {  	[simem:s7], [sflag:s8] =	dma.local @!p0 [hbm:s6], $0xF7A  }
0x23: {  	s9 =	sor.u32 $0xD0000000, s2;
	s6 =	simm.s32 $0x108;
	_ =	swait.ge @!p0 [sflag:s8], $0x0  }
0x24: {  	s3 =	sadd.s32 $0x88, s3;
	s6 =	simm.s32 @!p1 $0x1082;
	[sflag:s4] =	ssyncset.s32 $0xFFFFF086  }
0x25: {  	[simem:s6], [sflag:s4] =	dma.local [hbm:s3], $0xF7A  }
0x26: {  	[smem:$0x3F9C] =	sst s1;
	(tag) =	ssettag s2;
	_ =	strace s9  }
0x27: {  	s1 =	sld [smem:$0x3FAC]  }
0x28: {  	s2 =	sld [smem:$0x3FAD]  }
0x29: {  	s4 =	sld [smem:$0x3FAF]  }
0x2a: {  	p0 =	seq.s32 s5, $0x0;
	s5 =	sld [smem:$0x3FB0]  }
0x2b: {  	s6 =	sld [smem:$0x3FB1]  }
0x2c: {  	s7 =	sld [smem:$0x3FB2]  }
0x2d: {  	s3 =	simm.s32 $0x108;
	s8 =	sld [smem:$0x3FB3]  }
0x2e: {  	s3 =	simm.s32 @!p0 $0x1082;
	s9 =	sld [smem:$0x3FB4]  }
0x2f: {  	lr =	sadd.s32 s0, s3;
	s0 =	sld [smem:$0x3FAB]  }
0x30: {  	s3 =	sld [smem:$0x3FAE]  }
0x31: {  	[smem:$0x3FB7] =	sst s10  }
0x32: {  	s10 =	sld [smem:$0x3FB5];
	_ =	sdelay $0x3  }
0x33: {  	p0 =	seq.s32 s10, $0x1;
	s10 =	sld [smem:$0x3FB7];
	_ =	sdelay $0x3  }
0x34: {  	[smem:$0x3FB7] =	sst s10  }
0x35: {  	s10 =	sld [smem:$0x3FB6];
	_ =	sdelay $0x3  }
0x36: {  	p1 =	seq.s32 s10, $0x1;
	s10 =	sld [smem:$0x3FB7];
	_ =	sdelay $0x3  }
0x37: {  	[smem:$0x3FB7] =	sst s10  }
0x38: {  	s10 =	sld [smem:$0x3FB8]  }
0x39: {  	_ = 	snop;
	(pc) =	sbr.ind lr, $3  }
0x3a: {  	_ = 	snop  }
0x3b: {  	_ = 	snop  }
0x3c: {  	p2 =	seq.s32 s10, $0x1;
	s10 =	sld [smem:$0x3FB7]  }
0x3d: {  	_ =	shalt  }
0x3e: {  	_ =	shalt  }
0x3f: {  	_ =	shalt  }
0x40: {  	_ =	shalt  }
0x41: {  	_ =	shalt  }
0x42: {  	_ =	shalt  }
0x43: {  	_ =	shalt  }
0x44: {  	_ =	shalt  }
0x45: {  	_ =	shalt  }
0x46: {  	_ =	shalt  }
0x47: {  	_ =	shalt  }
0x48: {  	_ =	shalt  }
0x49: {  	_ =	shalt  }
0x4a: {  	_ =	shalt  }
0x4b: {  	_ =	shalt  }
0x4c: {  	_ =	shalt  }
0x4d: {  	_ =	shalt  }
0x4e: {  	_ =	shalt  }
0x4f: {  	_ =	shalt  }
0x50: {  	_ =	shalt  }
0x51: {  	_ =	shalt  }
0x52: {  	_ =	shalt  }
0x53: {  	_ =	shalt  }
0x54: {  	_ =	shalt  }
0x55: {  	_ =	shalt  }
0x56: {  	_ =	shalt  }
0x57: {  	_ =	shalt  }
0x58: {  	_ =	shalt  }
0x59: {  	_ =	shalt  }
0x5a: {  	_ =	shalt  }
0x5b: {  	_ =	shalt  }
0x5c: {  	_ =	shalt  }
0x5d: {  	_ =	shalt  }
0x5e: {  	_ =	shalt  }
0x5f: {  	_ =	shalt  }
0x60: {  	_ =	shalt  }
0x61: {  	_ =	shalt  }
0x62: {  	_ =	shalt  }
0x63: {  	_ =	shalt  }
0x64: {  	_ =	shalt  }
0x65: {  	_ =	shalt  }
0x66: {  	_ =	shalt  }
0x67: {  	_ =	shalt  }
0x68: {  	_ =	shalt  }
0x69: {  	_ =	shalt  }
0x6a: {  	_ =	shalt  }
0x6b: {  	_ =	shalt  }
0x6c: {  	_ =	shalt  }
0x6d: {  	_ =	shalt  }
0x6e: {  	_ =	shalt  }
0x6f: {  	_ =	shalt  }
0x70: {  	_ =	shalt  }
0x71: {  	_ =	shalt  }
0x72: {  	_ =	shalt  }
0x73: {  	_ =	shalt  }
0x74: {  	_ =	shalt  }
0x75: {  	_ =	shalt  }
0x76: {  	_ =	shalt  }
0x77: {  	_ =	shalt  }
0x78: {  	_ =	shalt  }
0x79: {  	_ =	shalt  }
0x7a: {  	_ =	shalt  }
0x7b: {  	_ =	shalt  }
0x7c: {  	_ =	shalt  }
0x7d: {  	_ =	shalt  }
0x7e: {  	_ =	shalt  }
0x7f: {  	_ =	shalt  }
0x80: {  	_ =	shalt  }
0x81: {  	_ =	shalt  }
0x82: {  	_ =	shalt  }
0x83: {  	_ =	shalt  }
0x84: {  	_ =	shalt  }
0x85: {  	_ =	shalt  }
0x86: {  	_ =	shalt  }
0x87: {  	_ =	shalt  }
.Lfunc_end0:
.L_simem_size_0:
called_computation_lowered:
.L_overlay_start_0:
0x88: {  	s2 =	sld [smem:$0x3FD9]  }
0x89: {  	s3 =	sld [smem:$0x3FFE];
	_ =	sdelay $0x1  }
0x8a: {  	s1 =	srdreg.scid  }
0x8b: {  	s0 =	sand.u32 $0x1, s1  }
0x8c: {  	s17 =	sshll.u32 s0, $0xA;
	s2 =	sadd.s32 s3, s2  }
0x8d: {  	s2 =	sadd.s32 s2, s17  }
0x8e: {  	[smem:$0x3FC3] =	sst s2  }
0x8f: {  	_ = 	snop  }
0x90: {  	s2 =	sld [smem:$0x3FC9]  }
0x91: {  	s18 =	sld [smem:$0x3FC8]  }
0x92: {  	s4 =	sld [smem:$0x3FC7]  }
0x93: {  	s5 =	sld [smem:$0x3FD0];
	(tm) =	ssettm $0x1  }
0x94: {  	s6 =	sld [smem:$0x3FFB];
	_ =	sdelay $0x3  }
0x95: {  	_ =	strace s6  }
0x96: {  	s6 =	sld [smem:$0x3FFC];
	_ =	sdelay $0x3  }
0x97: {  	_ =	strace s6  }
0x98: {  	s6 =	sld [smem:$0x3FFD];
	_ =	sdelay $0x3  }
0x99: {  	_ =	strace s6  }
0x9a: {  	_ =	strace $0x8FFFFFFF  }
0x9b: {  	s19 =	sld [smem:$0x3FDB];
	_ =	sdelay $0x1  }
0x9c: {  	s7 =	simm.s32 $_scs_section_size  }
0x9d: {  	s8 =	simm.s32 $_size__tile_overlayer_lowered;
	s9 =	simm.s32 $_tile_overlayer_lowered  }
0x9e: {  	s22 =	simm.s32 $0x1BFF;
	s21 =	sshll.u32 s9, $0x1;
	s6 =	sadd.s32 s7, s19  }
0x9f: {  	s10 =	simm.s32 $0x0;
	s20 =	sshll.u32 s8, $0x1;
	s8 =	sadd.s32 s21, s6  }
0xa0: {  	[timem:s10], [sflag:s22] =	dma.local [hbm:s8], s20  }
0xa1: {  	_ =	swait.ge [sflag:s22], s20  }
0xa2: {  	s7 =	ssub.s32 $0x0, s20;
	[sflag:s22] =	ssyncset.done $0x0  }
0xa3: {  	[sflag:s22] =	ssyncadd.s32 s7;
	_ =	sdelay $0x1  }
0xa4: {  	s23 =	simm.s32 $0x1B8B  }
0xa5: {  	_ =	swait.ge [sflag:s23], $0x1  }
0xa6: {  	[sflag:s23] =	ssyncset.done $0x0  }
0xa7: {  	s25 =	simm.s32 $0x1B8E;
	s24 =	sld [smem:$0x3FFE];
	[sflag:s23] =	ssyncadd.s32 $0xFFFFFFFF  }
0xa8: {  	s26 =	simm.s32 $execute0_lowered;
	[smem:$0x3FD2] =	sst s25  }
0xa9: {  	s8 =	sshll.u32 s26, $0x1;
	_ =	strace $0x80000046;
	[dreg:$0x1] =	wrdreg $0xFFFFFFFF  }
0xaa: {  	s28 =	simm.s32 $_size_execute0_lowered;
	s6 =	sadd.s32 s6, s8;
	[dreg:$0x0] =	wrdreg $0x0  }
0xab: {  	s8 =	sshll.u32 s28, $0x1;
	[dreg:$0x2] =	wrdreg s6  }
0xac: {  	[dreg:$0x3] =	wrdreg s8  }
0xad: {  	[dreg:$0x4] =	wrdreg $0xC0  }
0xae: {  	_ =	task [dreg:s10], $0x5FFFF  }
0xaf: {  	[dreg:$0x1] =	wrdreg $0xFFFFFFFF  }
0xb0: {  	[dreg:$0x0] =	wrdreg $0x60  }
0xb1: {  	[dreg:$0x2] =	wrdreg s2  }
0xb2: {  	[dreg:$0x3] =	wrdreg s18  }
0xb3: {  	[dreg:$0x4] =	wrdreg s4  }
0xb4: {  	[dreg:$0x5] =	wrdreg s24  }
0xb5: {  	[dreg:$0x6] =	wrdreg s5  }
0xb6: {  	[dreg:$0x7] =	wrdreg $0x9  }
0xb7: {  	_ =	task.clear_ibuf [dreg:s10], $0x8FFFF;
	_ =	strace $0x90000046  }
0xb8: {  	s29 =	simm.s32 $0x9;
	_ =	strace $0x80000048  }
0xb9: {  	_ =	swait.ge [sflag:s29], $0x1  }
0xba: {  	[sflag:s29] =	ssyncadd.s32 $0xFFFFFFFF  }
0xbb: {  	_ =	strace $0x90000048  }
0xbc: {  	_ =	sfence  }
0xbd: {  	s30 =	sld [smem:$0x0];
	_ =	sdelay $0x2  }
0xbe: {  	s31 =	sshll.u32 s1, $0xD;
	s1 =	sshrl.u32 s1, $0x2  }
0xbf: {  	s3 =	sand.u32 $0x4000, s31;
	s1 =	sadd.s32 s1, s30  }
0xc0: {  	s0 =	sor.u32 s3, s0;
	s1 =	sshll.u32 s1, $0x11  }
0xc1: {  	s0 =	sor.u32 s1, s0  }
0xc2: {  	s0 =	sadd.s32 $0x8F2B, s0  }
0xc3: {  	[sflag:s0] =	ssyncadd.remote.s32 $0x1  }
0xc4: {  	_ =	sfence.sel $0xFFFF  }
0xc5: {  	[dreg:$0x0] =	wrdreg $0xFFFFFFFF;
	(pc) =	sbr.abs _section_cstart, $3  }
0xc6: {  	[dreg:$0x1] =	wrdreg $0xFFFFFFFF  }
0xc7: {  	_ =	task.clear_ibuf [dreg:s10], $0x2FFFF;
	_ =	strace $0x9FFFFFFF  }
0xc8: {  	(tm) =	ssettm $0x7FFFFFFF  }
0xc9: {  	_ =	shalt  }
tec
execute0_lowered:
.L_overlay_start_1:
0x0: {  	(tag) =	ssettag $0x1  }
0x1: {  	s0 =	rddreg [dreg:$0x3]  }
0x2: {  	s4 =	rddreg [dreg:$0x4]  }
0x3: {  	s1 =	simm.s32 $0x0;
	s30 =	srdreg.scid;
	s3 =	stileid.u32  }
0x4: {  	s12 =	simm.s32 $0x2;
	s15 =	simm.s32 $0x80;
	s16 =	simm.s32 $0x1000  }
0x5: {  	s18 =	simm.s32 $0x9000;
	s5 =	simm.s32 $0xE00;
	s11 =	simm.s32 $0xF000  }
0x6: {  	s6 =	simm.s32 $0x300;
	s13 =	simm.s32 $0x7000;
	s14 =	simm.s32 $0xF00  }
0x7: {  	s17 =	simm.s32 $0x12000;
	s19 =	simm.s32 $0x380;
	s20 =	simm.s32 $0x8000  }
0x8: {  	s21 =	simm.s32 $0xF80;
	s22 =	simm.s32 $0x13800;
	s23 =	simm.s32 $0x1  }
0x9: {  	s24 =	simm.s32 $0x20;
	s25 =	simm.s32 $0x30;
	[smem:$0x7FF] =	sst s1  }
0xa: {  	s1 =	sand.u32 $0x1, s30;
	s7 =	sadd.s32 $0xF42A00, s0;
	s3 =	sshll.u32 s3, $0x1  }
0xb: {  	s8 =	sadd.s32 $0x600, s0;
	s10 =	sadd.s32 $0x4, s4;
	s2 =	ssub.s32 $0x2, s1  }
0xc: {  	s4 =	simm.s32 $0x10800;
	_ =	strace $0x80000047;
	s31 =	sshrl.u32 s2, $0x1  }
0xd: {  	s1 =	sor.u32 s1, s3;
	s3 =	simm.s32 $0xE80;
	s0 =	ssub.s32 s2, s31  }
0xe: {  	s9 =	smul.u32 $0x6400, s1;
	s1 =	simm.s32 $0x280;
	s0 =	smax.u32 s0, $0x1  }
0xf: {  	s2 =	simm.s32 $0x6000;
	[dreg:$0x6] =	wrdreg s0;
	s0 =	simm.s32 $0x0  }
.LBB2_1:
0x10: {  	[dreg:$0x7] =	wrdreg s0;
	s26 =	simm.s32 $0x0  }
.LBB2_2:
0x11: {  	s28 =	sshll.u32 s26, $0xA  }
0x12: {  	s28 =	sadd.s32 s9, s28  }
0x13: {  	s30 =	rddreg [dreg:$0x0];
	s29 =	sshrl.u32 s28, $0x3  }
0x14: {  	s31 =	simm.s32 $0x0;
	s30 =	sadd.s32 s30, s29  }
0x15: {  	[tilespmem:s31], [sflag:$0x2] =	stream.linear.gather [hbm4b:s30+s31], $0x400, $0x38;
	[tilespmem:$0x15000] =	vst v63  }
0x16: {  	_ =	swait.ge [sflag:s12], $0x400  }
0x17: {  	[sflag:s12] =	ssyncset.done $0x0  }
0x18: {  	[sflag:s12] =	ssyncadd.s32 $0xFFFFFC00  }
0x19: {  	s30 =	rddreg [dreg:$0x1]  }
0x1a: {  	s0 =	simm.s32 $0x400;
	s30 =	sadd.s32 s30, s29  }
0x1b: {  	[tilespmem:s0], [sflag:$0x2] =	stream.linear.gather [hbm4b:s30+s31], $0x400, $0x38;
	[tilespmem:$0x15000] =	vst v63  }
0x1c: {  	_ =	swait.ge [sflag:s12], $0x400  }
0x1d: {  	[sflag:s12] =	ssyncset.done $0x0  }
0x1e: {  	[sflag:s12] =	ssyncadd.s32 $0xFFFFFC00  }
0x1f: {  	s30 =	rddreg [dreg:$0x2]  }
0x20: {  	s0 =	simm.s32 $0x800;
	s29 =	sadd.s32 s30, s29  }
0x21: {  	[tilespmem:s0], [sflag:$0x2] =	stream.linear.gather [hbm4b:s29+s31], $0x400, $0x38;
	[tilespmem:$0x15000] =	vst v63  }
0x22: {  	_ =	swait.ge [sflag:s12], $0x400  }
0x23: {  	[sflag:s12] =	ssyncset.done $0x0  }
0x24: {  	s29 =	simm.s32 $0x0;
	[sflag:s12] =	ssyncadd.s32 $0xFFFFFC00  }
0x25: {  	v0 =	vld [tilespmem:s29+$0x400]  }
0x26: {  	s30 =	simm.s32 $0x40;
	v1 =	vld [tilespmem:s29+$0x800]  }
.LBB2_3:
0x27: {  	p0 =	sne.s32 s30, $0xFC0  }
.Ltmp0:
0x28: {  	_ = 	snop;
	(pc) =	sbr.rel @p0 .LBB2_3-.Ltmp0, $4  }
0x29: {  	_ = 	snop  }
0x2a: {  	s31 =	sshra.s32 s30, $0x2;
	s30 =	sadd.s32 $0x40, s30;
	v2 =	vshll.u32 v0, $0x3  }
0x2b: {  	v0 =	vld [tilespmem:s31+$0x400];
	v2 =	vadd.s32 v1, v2  }
0x2c: {  	v1 =	vld [tilespmem:s31+$0x800];
	[tilespmem:s29+$0xC00] =	vst v2;
	s29 =	smov.u32 s31  }
0x2d: {  	_ =	sdelay $0x2  }
0x2e: {  	v0 =	vshll.u32 v0, $0x3  }
0x2f: {  	v0 =	vadd.s32 v1, v0  }
0x30: {  	s0 =	simm.s32 $0x0;
	[tilespmem:s29+$0xC00] =	vst v0  }
0x31: {  	[tilespmem:s16], [sflag:$0x1] =	stream.indirect.gather [hbm4b:s7+s15], $0x20, s0, s15, $0xb8;
	[tilespmem:$0x15000] =	vst v63  }
0x32: {  	s0 =	simm.s32 $0xC00  }
0x33: {  	[tilespmem:s18], [sflag:$0x1] =	stream.indirect.gather [hbm4b:s8+s15], $0x30, s0, s15, $0xb8;
	[tilespmem:$0x15000] =	vst v63  }
0x34: {  	s30 =	simm.s32 $0x2000  }
0x35: {  	[tilespmem:s30], [sflag:$0x1] =	stream.indirect.gather [hbm4b:s7+s15], $0x20, s15, s15, $0xb8;
	[tilespmem:$0x15000] =	vst v63  }
0x36: {  	s31 =	simm.s32 $0xC80;
	s30 =	simm.s32 $0xA800  }
0x37: {  	[tilespmem:s30], [sflag:$0x1] =	stream.indirect.gather [hbm4b:s8+s15], $0x30, s31, s15, $0xb8;
	[tilespmem:$0x15000] =	vst v63  }
0x38: {  	s31 =	simm.s32 $0x100;
	s30 =	simm.s32 $0x3000  }
0x39: {  	[tilespmem:s30], [sflag:$0x1] =	stream.indirect.gather [hbm4b:s7+s15], $0x20, s31, s15, $0xb8;
	[tilespmem:$0x15000] =	vst v63  }
0x3a: {  	s31 =	simm.s32 $0xD00;
	s30 =	simm.s32 $0xC000  }
0x3b: {  	[tilespmem:s30], [sflag:$0x1] =	stream.indirect.gather [hbm4b:s8+s15], $0x30, s31, s15, $0xb8;
	[tilespmem:$0x15000] =	vst v63  }
0x3c: {  	s31 =	simm.s32 $0x180;
	s30 =	simm.s32 $0x4000  }
0x3d: {  	[tilespmem:s30], [sflag:$0x1] =	stream.indirect.gather [hbm4b:s7+s15], $0x20, s31, s15, $0xb8;
	[tilespmem:$0x15000] =	vst v63  }
0x3e: {  	s31 =	simm.s32 $0xD80;
	s30 =	simm.s32 $0xD800  }
0x3f: {  	[tilespmem:s30], [sflag:$0x1] =	stream.indirect.gather [hbm4b:s8+s15], $0x30, s31, s15, $0xb8;
	[tilespmem:$0x15000] =	vst v63  }
0x40: {  	s31 =	simm.s32 $0x200;
	s30 =	simm.s32 $0x5000  }
0x41: {  	[tilespmem:s30], [sflag:$0x1] =	stream.indirect.gather [hbm4b:s7+s15], $0x20, s31, s15, $0xb8;
	[tilespmem:$0x15000] =	vst v63  }
0x42: {  	_ = 	snop  }
0x43: {  	[tilespmem:s11], [sflag:$0x1] =	stream.indirect.gather [hbm4b:s8+s15], $0x30, s5, s15, $0xb8;
	[tilespmem:$0x15000] =	vst v63  }
0x44: {  	_ = 	snop  }
0x45: {  	[tilespmem:s2], [sflag:$0x1] =	stream.indirect.gather [hbm4b:s7+s15], $0x20, s1, s15, $0xb8;
	[tilespmem:$0x15000] =	vst v63  }
0x46: {  	_ = 	snop  }
0x47: {  	[tilespmem:s4], [sflag:$0x1] =	stream.indirect.gather [hbm4b:s8+s15], $0x30, s3, s15, $0xb8;
	[tilespmem:$0x15000] =	vst v63  }
0x48: {  	_ = 	snop  }
0x49: {  	[tilespmem:s13], [sflag:$0x1] =	stream.indirect.gather [hbm4b:s7+s15], $0x20, s6, s15, $0xb8;
	[tilespmem:$0x15000] =	vst v63  }
0x4a: {  	_ = 	snop  }
0x4b: {  	[tilespmem:s17], [sflag:$0x1] =	stream.indirect.gather [hbm4b:s8+s15], $0x30, s14, s15, $0xb8;
	[tilespmem:$0x15000] =	vst v63  }
0x4c: {  	_ = 	snop  }
0x4d: {  	[tilespmem:s20], [sflag:$0x1] =	stream.indirect.gather [hbm4b:s7+s15], $0x20, s19, s15, $0xb8;
	[tilespmem:$0x15000] =	vst v63  }
0x4e: {  	_ = 	snop  }
0x4f: {  	[tilespmem:s22], [sflag:$0x1] =	stream.indirect.gather [hbm4b:s8+s15], $0x30, s21, s15, $0xb8;
	[tilespmem:$0x15000] =	vst v63  }
0x50: {  	_ =	swait.ge [sflag:s23], $0x1000  }
0x51: {  	[sflag:s23] =	ssyncset.done $0x0  }
0x52: {  	[sflag:s23] =	ssyncadd.s32 $0xFFFFF000  }
0x53: {  	_ =	swait.ge [sflag:s23], $0x1800  }
0x54: {  	[sflag:s23] =	ssyncset.done $0x0  }
0x55: {  	[sflag:s23] =	ssyncadd.s32 $0xFFFFE800  }
0x56: {  	_ =	swait.ge [sflag:s23], $0x1000  }
0x57: {  	[sflag:s23] =	ssyncset.done $0x0  }
0x58: {  	[sflag:s23] =	ssyncadd.s32 $0xFFFFF000  }
0x59: {  	_ =	swait.ge [sflag:s23], $0x1800  }
0x5a: {  	[sflag:s23] =	ssyncset.done $0x0  }
0x5b: {  	[sflag:s23] =	ssyncadd.s32 $0xFFFFE800  }
0x5c: {  	_ =	swait.ge [sflag:s23], $0x1000  }
0x5d: {  	[sflag:s23] =	ssyncset.done $0x0  }
0x5e: {  	[sflag:s23] =	ssyncadd.s32 $0xFFFFF000  }
0x5f: {  	_ =	swait.ge [sflag:s23], $0x1800  }
0x60: {  	[sflag:s23] =	ssyncset.done $0x0  }
0x61: {  	[sflag:s23] =	ssyncadd.s32 $0xFFFFE800  }
0x62: {  	_ =	swait.ge [sflag:s23], $0x1000  }
0x63: {  	[sflag:s23] =	ssyncset.done $0x0  }
0x64: {  	[sflag:s23] =	ssyncadd.s32 $0xFFFFF000  }
0x65: {  	_ =	swait.ge [sflag:s23], $0x1800  }
0x66: {  	[sflag:s23] =	ssyncset.done $0x0  }
0x67: {  	[sflag:s23] =	ssyncadd.s32 $0xFFFFE800  }
0x68: {  	_ =	swait.ge [sflag:s23], $0x1000  }
0x69: {  	[sflag:s23] =	ssyncset.done $0x0  }
0x6a: {  	[sflag:s23] =	ssyncadd.s32 $0xFFFFF000  }
0x6b: {  	_ =	swait.ge [sflag:s23], $0x1800  }
0x6c: {  	[sflag:s23] =	ssyncset.done $0x0  }
0x6d: {  	[sflag:s23] =	ssyncadd.s32 $0xFFFFE800  }
0x6e: {  	_ =	swait.ge [sflag:s23], $0x1000  }
0x6f: {  	[sflag:s23] =	ssyncset.done $0x0  }
0x70: {  	[sflag:s23] =	ssyncadd.s32 $0xFFFFF000  }
0x71: {  	_ =	swait.ge [sflag:s23], $0x1800  }
0x72: {  	[sflag:s23] =	ssyncset.done $0x0  }
0x73: {  	[sflag:s23] =	ssyncadd.s32 $0xFFFFE800  }
0x74: {  	_ =	swait.ge [sflag:s23], $0x1000  }
0x75: {  	[sflag:s23] =	ssyncset.done $0x0  }
0x76: {  	[sflag:s23] =	ssyncadd.s32 $0xFFFFF000  }
0x77: {  	_ =	swait.ge [sflag:s23], $0x1800  }
0x78: {  	[sflag:s23] =	ssyncset.done $0x0  }
0x79: {  	[sflag:s23] =	ssyncadd.s32 $0xFFFFE800  }
0x7a: {  	_ =	swait.ge [sflag:s23], $0x1000  }
0x7b: {  	[sflag:s23] =	ssyncset.done $0x0  }
0x7c: {  	[sflag:s23] =	ssyncadd.s32 $0xFFFFF000  }
0x7d: {  	_ =	swait.ge [sflag:s23], $0x1800  }
0x7e: {  	[sflag:s23] =	ssyncset.done $0x0  }
0x7f: {  	[sflag:s23] =	ssyncadd.s32 $0xFFFFE800  }
0x80: {  	s28 =	sshll.u32 s28, $0x4;
	s31 =	rddreg [dreg:$0x4]  }
0x81: {  	s29 =	sadd.s32 s31, s28  }
0x82: {  	[hbm4b:s29+s24] =	stream.strided.scatter [tilespmem:s16], [sflag:$0x2], $0x8000, s15, s24, $0x38;
	[tilespmem:$0x15000] =	vst v63  }
0x83: {  	s26 =	sadd.s32 $0x1, s26;
	_ =	swait.ge [sflag:s12], $0x8000  }
0x84: {  	p0 =	sne.s32 s26, $0x19;
	[sflag:s12] =	ssyncset.done $0x0  }
.Ltmp1:
0x85: {  	s28 =	sadd.s32 s28, s10;
	[sflag:s12] =	ssyncadd.s32 $0xFFFF8000;
	(pc) =	sbr.rel @p0 .LBB2_2-.Ltmp1, $4  }
0x86: {  	[hbm4b:s28+s25] =	stream.strided.scatter [tilespmem:s18], [sflag:$0x2], $0xC000, s15, s25, $0x38;
	[tilespmem:$0x15000] =	vst v63  }
0x87: {  	_ =	swait.ge [sflag:s12], $0xC000  }
0x88: {  	[sflag:s12] =	ssyncset.done $0x0  }
0x89: {  	[sflag:s12] =	ssyncadd.s32 $0xFFFF4000  }
0x8a: {  	s0 =	rddreg [dreg:$0x7]  }
0x8b: {  	s26 =	rddreg [dreg:$0x6];
	s0 =	sadd.s32 $0x1, s0  }
0x8c: {  	p0 =	sne.s32 s0, s26  }
.Ltmp2:
0x8d: {  	_ = 	snop;
	(pc) =	sbr.rel @p0 .LBB2_1-.Ltmp2, $1  }
0x8e: {  	_ =	sdelay $0x3  }
0x8f: {  	_ =	sfence.sel $0x180000  }
0x90: {  	[bflag:$0x0] =	sbarrier.arrive $0xFFFF  }
0x91: {  	_ =	strace $0x90000047  }
0x92: {  	s0 =	stileid.u32;
	[bflag:$0x2] =	sbarrier.arrive $0xFFFF  }
0x93: {  	p0 =	sne.s32 s0, $0x0;
	s0 =	rddreg [dreg:$0x5]  }
0x94: {  	s0 =	sadd.s32 @!p0 $0x100000, s0  }
0x95: {  	[sflag:s0] =	ssyncadd.tile.s32 @!p0 $0x1;
	_ =	shalt  }
.Lfunc_end2:
_tile_overlayer_lowered:
.L_overlay_start_2:
0x96: {  	(tag) =	ssettag $0x2  }
0x97: {  	s0 =	rddreg [dreg:$0x0];
	s2 =	stileid.u32  }
0x98: {  	s1 =	rddreg [dreg:$0x1];
	p0 =	sne.s32 s2, $0x0  }
0x99: {  	s3 =	rddreg [dreg:$0x2];
	[bflag:$0x3] =	sbarrier.arrive $0xFFFF;
	s2 =	simm.s32 @!p0 $0x1C02  }
0x9a: {  	[timem:s3], [sflag:s2] =	dma.local @!p0 [hbm:s0], s1  }
0x9b: {  	s0 =	simm.s32 @!p0 $0x2  }
0x9c: {  	_ =	swait.ge @!p0 [sflag:s0], s1  }
0x9d: {  	s1 =	ssub.s32 @!p0 $0x0, s1;
	[sflag:s0] =	ssyncset.done @!p0 $0x0  }
0x9e: {  	[sflag:s0] =	ssyncadd.s32 @!p0 s1  }
0x9f: {  	[bflag:$0x3] =	sbarrier.arrive $0xFFFF  }
0xa0: {  	_ =	shalt  }

</sc_bundles>
